<compile_context>
chip_gen: v7x
topology: tpu7x:2x2x1
jax: 0.10.2.dev20260603
libtpu: 0.0.44.dev20260713+nightly
codegen_flags: <defaults>
</compile_context>

<pallas_src>
import jax
import jax.numpy as jnp
from jax import lax
from jax.experimental import pallas as pl
from jax.experimental.pallas import tpu as pltpu
from jax.experimental.pallas import tpu_sc as plsc

B = 16384
D = 32
FD = 16
NROWS = 1000000
BLK = 32768
PADN = 1015808
GA = PADN // BLK

NC = 2
NS = 16
NW = NC * NS
BPW = B // NW
CHUNK = 128
NCHUNK = BPW // CHUNK


def _pv_body(wout, ut, it, uft, ift, wuf, wif, buf, bif, bo, pu, pi, f):
    f32 = jnp.float32
    wu = wout[:, :D]
    wi = wout[:, D:]
    pu[...] = jnp.dot(wu, ut[...], preferred_element_type=f32).reshape(BLK)
    pi[...] = jnp.dot(wi, it[...], preferred_element_type=f32).reshape(BLK)

    @pl.when(pl.program_id(0) == 0)
    def _():
        qu = lax.dot_general(wuf[...], wu, (((1,), (1,)), ((), ())),
                             preferred_element_type=f32)
        qi = lax.dot_general(wif[...], wi, (((1,), (1,)), ((), ())),
                             preferred_element_type=f32)
        fu = lax.dot_general(qu, uft[...], (((0,), (0,)), ((), ())),
                             preferred_element_type=f32)
        fi = lax.dot_general(qi, ift[...], (((0,), (0,)), ((), ())),
                             preferred_element_type=f32)
        const = (jnp.sum(buf[...] * wu) + jnp.sum(bif[...] * wi) + bo[0, 0])
        f[...] = fu + fi + const


_pv = pl.pallas_call(
    _pv_body,
    grid=(GA,),
    in_specs=[
        pl.BlockSpec((1, 2 * D), lambda j: (0, 0)),
        pl.BlockSpec((D, BLK), lambda j: (0, j)),
        pl.BlockSpec((D, BLK), lambda j: (0, j)),
        pl.BlockSpec((FD, B), lambda j: (0, 0)),
        pl.BlockSpec((FD, B), lambda j: (0, 0)),
        pl.BlockSpec((FD, D), lambda j: (0, 0)),
        pl.BlockSpec((FD, D), lambda j: (0, 0)),
        pl.BlockSpec((1, D), lambda j: (0, 0)),
        pl.BlockSpec((1, D), lambda j: (0, 0)),
        pl.BlockSpec((1, 1), lambda j: (0, 0)),
    ],
    out_specs=[
        pl.BlockSpec((BLK,), lambda j: (j,)),
        pl.BlockSpec((BLK,), lambda j: (j,)),
        pl.BlockSpec((1, B), lambda j: (0, 0)),
    ],
    out_shape=[
        jax.ShapeDtypeStruct((PADN,), jnp.float32),
        jax.ShapeDtypeStruct((PADN,), jnp.float32),
        jax.ShapeDtypeStruct((1, B), jnp.float32),
    ],
)


def _sc_body(pu, pi, f, idxu, idxi, out, idxvu, idxvi, valsu, valsi, fv,
             sem):
    wid = lax.axis_index("s") * NC + lax.axis_index("c")
    base = wid * BPW
    pltpu.sync_copy(idxu.at[pl.ds(wid * NCHUNK, NCHUNK)], idxvu)
    pltpu.sync_copy(idxi.at[pl.ds(wid * NCHUNK, NCHUNK)], idxvi)
    for j in range(NCHUNK):
        pltpu.async_copy(pu.at[idxvu.at[j]],
                         valsu.at[pl.ds(j * CHUNK, CHUNK)], sem)
    for j in range(NCHUNK):
        pltpu.async_copy(pi.at[idxvi.at[j]],
                         valsi.at[pl.ds(j * CHUNK, CHUNK)], sem)
    pltpu.sync_copy(f.at[pl.ds(base, BPW)], fv)
    for j in range(NCHUNK):
        pltpu.make_async_copy(pu.at[idxvu.at[j]],
                              valsu.at[pl.ds(j * CHUNK, CHUNK)], sem).wait()
    for j in range(NCHUNK):
        pltpu.make_async_copy(pi.at[idxvi.at[j]],
                              valsi.at[pl.ds(j * CHUNK, CHUNK)], sem).wait()
    valsu[...] = valsu[...] + valsi[...] + fv[...]
    pltpu.sync_copy(valsu, out.at[pl.ds(base, BPW)])


_sc_gather = pl.kernel(
    _sc_body,
    out_type=jax.ShapeDtypeStruct((B,), jnp.float32),
    mesh=plsc.VectorSubcoreMesh(core_axis_name="c", subcore_axis_name="s",
                                num_cores=NC, num_subcores=NS),
    scratch_types=[
        pltpu.VMEM((NCHUNK, CHUNK), jnp.int32),
        pltpu.VMEM((NCHUNK, CHUNK), jnp.int32),
        pltpu.VMEM((BPW,), jnp.float32),
        pltpu.VMEM((BPW,), jnp.float32),
        pltpu.VMEM((BPW,), jnp.float32),
        pltpu.SemaphoreType.DMA,
    ],
)


def kernel(user_ids, item_ids, user_features, item_features, user_emb,
           item_emb, W_uf, b_uf, W_if, b_if, W_out, b_out):
    wout = W_out.reshape(1, 2 * D)
    pu, pi, f = _pv(wout, user_emb.T, item_emb.T,
                    user_features.T, item_features.T, W_uf, W_if,
                    b_uf.reshape(1, D), b_if.reshape(1, D),
                    b_out.reshape(1, 1))
    idxu = user_ids.reshape(NW * NCHUNK, CHUNK)
    idxi = item_ids.reshape(NW * NCHUNK, CHUNK)
    out = _sc_gather(pu, pi, f.reshape(B), idxu, idxi)
    return out.reshape(B, 1)

# --- scband reference (transcript-rebuilt; emitter-appended) ---
"""Pipeline reference for scband-rec-sys-model-76622216560746 (READ-ONLY COPY).

The authoritative reference and input builder live on the scoring server;
editing this copy changes nothing except your own understanding.
"""

import jax, jax.numpy as jnp
import numpy as np

NUM_USERS = 1000000
NUM_ITEMS = 1000000
EMBED_DIM = 32
USER_FEAT_DIM = 16
ITEM_FEAT_DIM = 16
BATCH = 16384


def setup_inputs(seed: int = 0) -> dict:
    key = jax.random.key(seed)
    ks = jax.random.split(key, 12)
    user_ids = jax.random.randint(ks[0], (BATCH,), 0, NUM_USERS, dtype=jnp.int32)
    item_ids = jax.random.randint(ks[1], (BATCH,), 0, NUM_ITEMS, dtype=jnp.int32)
    user_features = jax.random.normal(ks[2], (BATCH, USER_FEAT_DIM), dtype=jnp.float32)
    item_features = jax.random.normal(ks[3], (BATCH, ITEM_FEAT_DIM), dtype=jnp.float32)
    user_emb = jax.random.normal(ks[4], (NUM_USERS, EMBED_DIM), dtype=jnp.float32) * 0.02
    item_emb = jax.random.normal(ks[5], (NUM_ITEMS, EMBED_DIM), dtype=jnp.float32) * 0.02
    W_uf = jax.random.normal(ks[6], (USER_FEAT_DIM, EMBED_DIM), dtype=jnp.float32) * (1.0 / np.sqrt(USER_FEAT_DIM))
    b_uf = jnp.zeros((EMBED_DIM,), dtype=jnp.float32)
    W_if = jax.random.normal(ks[7], (ITEM_FEAT_DIM, EMBED_DIM), dtype=jnp.float32) * (1.0 / np.sqrt(ITEM_FEAT_DIM))
    b_if = jnp.zeros((EMBED_DIM,), dtype=jnp.float32)
    W_out = jax.random.normal(ks[8], (EMBED_DIM * 2, 1), dtype=jnp.float32) * (1.0 / np.sqrt(EMBED_DIM * 2))
    b_out = jnp.zeros((1,), dtype=jnp.float32)
    return {
        "user_ids": user_ids,
        "item_ids": item_ids,
        "user_features": user_features,
        "item_features": item_features,
        "user_emb": user_emb,
        "item_emb": item_emb,
        "W_uf": W_uf,
        "b_uf": b_uf,
        "W_if": W_if,
        "b_if": b_if,
        "W_out": W_out,
        "b_out": b_out,
    }


def reference(user_ids, item_ids, user_features, item_features, user_emb, item_emb, W_uf, b_uf, W_if, b_if, W_out, b_out):
    user_embeds = jnp.take(user_emb, user_ids, axis=0)
    item_embeds = jnp.take(item_emb, item_ids, axis=0)
    user_feature_embeds = user_features @ W_uf + b_uf
    item_feature_embeds = item_features @ W_if + b_if
    user_combined = user_embeds + user_feature_embeds
    item_combined = item_embeds + item_feature_embeds
    interaction = jnp.concatenate([user_combined, item_combined], axis=1)
    output = interaction @ W_out + b_out
    return output

if __name__ == "__main__":
    import jax
    _d = setup_inputs()
    print(jax.jit(kernel)(*tuple(_d.values())))

</pallas_src>

<mosaic_0001>
#map = affine_map<(d0, d1) -> (0)>
#map1 = affine_map<(d0, d1) -> (0, 0)>
module attributes {stable_mosaic.version = 14 : i64} {
  func.func @_sc_body(%arg0: i32, %arg1: i32, %arg2: memref<1015808xf32, #tpu.memory_space<hbm>>, %arg3: memref<1015808xf32, #tpu.memory_space<hbm>>, %arg4: memref<16384xf32, #tpu.memory_space<hbm>>, %arg5: memref<128x128xi32, #tpu.memory_space<hbm>>, %arg6: memref<128x128xi32, #tpu.memory_space<hbm>>, %arg7: memref<16384xf32, #tpu.memory_space<hbm>>, %arg8: memref<4x128xi32, #tpu.memory_space<vmem>>, %arg9: memref<4x128xi32, #tpu.memory_space<vmem>>, %arg10: memref<512xf32, #tpu.memory_space<vmem>>, %arg11: memref<512xf32, #tpu.memory_space<vmem>>, %arg12: memref<512xf32, #tpu.memory_space<vmem>>, %arg13: memref<!tpu.dma_semaphore, #tpu.memory_space<semaphore_mem>>) attributes {dimension_semantics = [#tpu.dimension_semantics<core_parallel>, #tpu.dimension_semantics<subcore_parallel>], iteration_bounds = array<i64: 2, 16>, scalar_prefetch = 0 : i64, scratch_operands = 6 : i64, tpu.core_type = #tpu.core_type<sc_vector_subcore>, window_params = [{transform_indices = #map}, {transform_indices = #map}, {transform_indices = #map}, {transform_indices = #map1}, {transform_indices = #map1}, {transform_indices = #map}]} {
    %mul3A = arith.constant 2 : i32
    %mul3A_0 = arith.muli %arg1, %mul3A : i32
    %add3A = arith.addi %mul3A_0, %arg0 : i32
    %mul3A_1 = arith.constant 512 : i32
    %mul3A_2 = arith.muli %add3A, %mul3A_1 : i32
    %mul3A_3 = arith.constant 4 : i32
    %mul3A_4 = arith.muli %add3A, %mul3A_3 : i32
    "tpu.region"() ({
      %run_scoped3A = tpu.sem_alloc : memref<!tpu.dma_semaphore, #tpu.memory_space<semaphore_mem>>
      %dma_start3A_146 = arith.constant 0 : i32
      %dma_start3A_147 = tpu.memref_slice %arg5[%mul3A_4, %dma_start3A_146] : memref<128x128xi32, #tpu.memory_space<hbm>> -> memref<4x128xi32, #tpu.memory_space<hbm>>
      %dma_start3A_148 = arith.constant 0 : i32
      %dma_start3A_149 = tpu.memref_slice %arg5[%mul3A_4, %dma_start3A_148] : memref<128x128xi32, #tpu.memory_space<hbm>> -> memref<4x128xi32, #tpu.memory_space<hbm>>
      tpu.enqueue_dma source(%dma_start3A_149 : memref<4x128xi32, #tpu.memory_space<hbm>>) target(%arg8 : memref<4x128xi32, #tpu.memory_space<vmem>>) target_semaphore(%run_scoped3A : memref<!tpu.dma_semaphore, #tpu.memory_space<semaphore_mem>>)
      %dma_wait3A_150 = arith.constant 0 : i32
      %dma_wait3A_151 = tpu.memref_slice %arg5[%mul3A_4, %dma_wait3A_150] : memref<128x128xi32, #tpu.memory_space<hbm>> -> memref<4x128xi32, #tpu.memory_space<hbm>>
      %dma_wait3A_152 = arith.constant 0 : i32
      %dma_wait3A_153 = tpu.memref_slice %arg5[%mul3A_4, %dma_wait3A_152] : memref<128x128xi32, #tpu.memory_space<hbm>> -> memref<4x128xi32, #tpu.memory_space<hbm>>
      tpu.wait_dma2 semaphore(%run_scoped3A : memref<!tpu.dma_semaphore, #tpu.memory_space<semaphore_mem>>) src(%dma_wait3A_153 : memref<4x128xi32, #tpu.memory_space<hbm>>) dst(%arg8 : memref<4x128xi32, #tpu.memory_space<vmem>>)
      tpu.yield
    }) : () -> ()
    %mul3A_5 = arith.constant 4 : i32
    %mul3A_6 = arith.muli %add3A, %mul3A_5 : i32
    "tpu.region"() ({
      %run_scoped3A = tpu.sem_alloc : memref<!tpu.dma_semaphore, #tpu.memory_space<semaphore_mem>>
      %dma_start3A_146 = arith.constant 0 : i32
      %dma_start3A_147 = tpu.memref_slice %arg6[%mul3A_6, %dma_start3A_146] : memref<128x128xi32, #tpu.memory_space<hbm>> -> memref<4x128xi32, #tpu.memory_space<hbm>>
      %dma_start3A_148 = arith.constant 0 : i32
      %dma_start3A_149 = tpu.memref_slice %arg6[%mul3A_6, %dma_start3A_148] : memref<128x128xi32, #tpu.memory_space<hbm>> -> memref<4x128xi32, #tpu.memory_space<hbm>>
      tpu.enqueue_dma source(%dma_start3A_149 : memref<4x128xi32, #tpu.memory_space<hbm>>) target(%arg9 : memref<4x128xi32, #tpu.memory_space<vmem>>) target_semaphore(%run_scoped3A : memref<!tpu.dma_semaphore, #tpu.memory_space<semaphore_mem>>)
      %dma_wait3A_150 = arith.constant 0 : i32
      %dma_wait3A_151 = tpu.memref_slice %arg6[%mul3A_6, %dma_wait3A_150] : memref<128x128xi32, #tpu.memory_space<hbm>> -> memref<4x128xi32, #tpu.memory_space<hbm>>
      %dma_wait3A_152 = arith.constant 0 : i32
      %dma_wait3A_153 = tpu.memref_slice %arg6[%mul3A_6, %dma_wait3A_152] : memref<128x128xi32, #tpu.memory_space<hbm>> -> memref<4x128xi32, #tpu.memory_space<hbm>>
      tpu.wait_dma2 semaphore(%run_scoped3A : memref<!tpu.dma_semaphore, #tpu.memory_space<semaphore_mem>>) src(%dma_wait3A_153 : memref<4x128xi32, #tpu.memory_space<hbm>>) dst(%arg9 : memref<4x128xi32, #tpu.memory_space<vmem>>)
      tpu.yield
    }) : () -> ()
    %dma_start3A = arith.constant 0 : i32
    %dma_start3A_7 = arith.constant 0 : i32
    %dma_start3A_8 = tpu.memref_slice %arg10[%dma_start3A_7] : memref<512xf32, #tpu.memory_space<vmem>> -> memref<128xf32, #tpu.memory_space<vmem>>
    %dma_start3A_9 = arith.constant 0 : i32
    %dma_start3A_10 = tpu.memref_slice %arg8[%dma_start3A, %dma_start3A_9] : memref<4x128xi32, #tpu.memory_space<vmem>> -> memref<1x128xi32, #tpu.memory_space<vmem>>
    %dma_start3A_11 = tpu.memref_squeeze %dma_start3A_10 : memref<1x128xi32, #tpu.memory_space<vmem>> -> memref<128xi32, #tpu.memory_space<vmem>>
    %dma_start3A_12 = arith.constant 0 : i32
    %dma_start3A_13 = tpu.memref_slice %arg2[%dma_start3A_12] : memref<1015808xf32, #tpu.memory_space<hbm>> -> memref<1015808xf32, #tpu.memory_space<hbm>>
    tpu.enqueue_indirect_dma source(%dma_start3A_13 : memref<1015808xf32, #tpu.memory_space<hbm>>) target(%dma_start3A_8 : memref<128xf32, #tpu.memory_space<vmem>>) offsets(%dma_start3A_11 : memref<128xi32, #tpu.memory_space<vmem>>) semaphore(%arg13 : memref<!tpu.dma_semaphore, #tpu.memory_space<semaphore_mem>>)
    %dma_start3A_14 = arith.constant 1 : i32
    %dma_start3A_15 = arith.constant 128 : i32
    %dma_start3A_16 = tpu.memref_slice %arg10[%dma_start3A_15] : memref<512xf32, #tpu.memory_space<vmem>> -> memref<128xf32, #tpu.memory_space<vmem>>
    %dma_start3A_17 = arith.constant 0 : i32
    %dma_start3A_18 = tpu.memref_slice %arg8[%dma_start3A_14, %dma_start3A_17] : memref<4x128xi32, #tpu.memory_space<vmem>> -> memref<1x128xi32, #tpu.memory_space<vmem>>
    %dma_start3A_19 = tpu.memref_squeeze %dma_start3A_18 : memref<1x128xi32, #tpu.memory_space<vmem>> -> memref<128xi32, #tpu.memory_space<vmem>>
    %dma_start3A_20 = arith.constant 0 : i32
    %dma_start3A_21 = tpu.memref_slice %arg2[%dma_start3A_20] : memref<1015808xf32, #tpu.memory_space<hbm>> -> memref<1015808xf32, #tpu.memory_space<hbm>>
    tpu.enqueue_indirect_dma source(%dma_start3A_21 : memref<1015808xf32, #tpu.memory_space<hbm>>) target(%dma_start3A_16 : memref<128xf32, #tpu.memory_space<vmem>>) offsets(%dma_start3A_19 : memref<128xi32, #tpu.memory_space<vmem>>) semaphore(%arg13 : memref<!tpu.dma_semaphore, #tpu.memory_space<semaphore_mem>>)
    %dma_start3A_22 = arith.constant 2 : i32
    %dma_start3A_23 = arith.constant 256 : i32
    %dma_start3A_24 = tpu.memref_slice %arg10[%dma_start3A_23] : memref<512xf32, #tpu.memory_space<vmem>> -> memref<128xf32, #tpu.memory_space<vmem>>
    %dma_start3A_25 = arith.constant 0 : i32
    %dma_start3A_26 = tpu.memref_slice %arg8[%dma_start3A_22, %dma_start3A_25] : memref<4x128xi32, #tpu.memory_space<vmem>> -> memref<1x128xi32, #tpu.memory_space<vmem>>
    %dma_start3A_27 = tpu.memref_squeeze %dma_start3A_26 : memref<1x128xi32, #tpu.memory_space<vmem>> -> memref<128xi32, #tpu.memory_space<vmem>>
    %dma_start3A_28 = arith.constant 0 : i32
    %dma_start3A_29 = tpu.memref_slice %arg2[%dma_start3A_28] : memref<1015808xf32, #tpu.memory_space<hbm>> -> memref<1015808xf32, #tpu.memory_space<hbm>>
    tpu.enqueue_indirect_dma source(%dma_start3A_29 : memref<1015808xf32, #tpu.memory_space<hbm>>) target(%dma_start3A_24 : memref<128xf32, #tpu.memory_space<vmem>>) offsets(%dma_start3A_27 : memref<128xi32, #tpu.memory_space<vmem>>) semaphore(%arg13 : memref<!tpu.dma_semaphore, #tpu.memory_space<semaphore_mem>>)
    %dma_start3A_30 = arith.constant 3 : i32
    %dma_start3A_31 = arith.constant 384 : i32
    %dma_start3A_32 = tpu.memref_slice %arg10[%dma_start3A_31] : memref<512xf32, #tpu.memory_space<vmem>> -> memref<128xf32, #tpu.memory_space<vmem>>
    %dma_start3A_33 = arith.constant 0 : i32
    %dma_start3A_34 = tpu.memref_slice %arg8[%dma_start3A_30, %dma_start3A_33] : memref<4x128xi32, #tpu.memory_space<vmem>> -> memref<1x128xi32, #tpu.memory_space<vmem>>
    %dma_start3A_35 = tpu.memref_squeeze %dma_start3A_34 : memref<1x128xi32, #tpu.memory_space<vmem>> -> memref<128xi32, #tpu.memory_space<vmem>>
    %dma_start3A_36 = arith.constant 0 : i32
    %dma_start3A_37 = tpu.memref_slice %arg2[%dma_start3A_36] : memref<1015808xf32, #tpu.memory_space<hbm>> -> memref<1015808xf32, #tpu.memory_space<hbm>>
    tpu.enqueue_indirect_dma source(%dma_start3A_37 : memref<1015808xf32, #tpu.memory_space<hbm>>) target(%dma_start3A_32 : memref<128xf32, #tpu.memory_space<vmem>>) offsets(%dma_start3A_35 : memref<128xi32, #tpu.memory_space<vmem>>) semaphore(%arg13 : memref<!tpu.dma_semaphore, #tpu.memory_space<semaphore_mem>>)
    %dma_start3A_38 = arith.constant 0 : i32
    %dma_start3A_39 = arith.constant 0 : i32
    %dma_start3A_40 = tpu.memref_slice %arg11[%dma_start3A_39] : memref<512xf32, #tpu.memory_space<vmem>> -> memref<128xf32, #tpu.memory_space<vmem>>
    %dma_start3A_41 = arith.constant 0 : i32
    %dma_start3A_42 = tpu.memref_slice %arg9[%dma_start3A_38, %dma_start3A_41] : memref<4x128xi32, #tpu.memory_space<vmem>> -> memref<1x128xi32, #tpu.memory_space<vmem>>
    %dma_start3A_43 = tpu.memref_squeeze %dma_start3A_42 : memref<1x128xi32, #tpu.memory_space<vmem>> -> memref<128xi32, #tpu.memory_space<vmem>>
    %dma_start3A_44 = arith.constant 0 : i32
    %dma_start3A_45 = tpu.memref_slice %arg3[%dma_start3A_44] : memref<1015808xf32, #tpu.memory_space<hbm>> -> memref<1015808xf32, #tpu.memory_space<hbm>>
    tpu.enqueue_indirect_dma source(%dma_start3A_45 : memref<1015808xf32, #tpu.memory_space<hbm>>) target(%dma_start3A_40 : memref<128xf32, #tpu.memory_space<vmem>>) offsets(%dma_start3A_43 : memref<128xi32, #tpu.memory_space<vmem>>) semaphore(%arg13 : memref<!tpu.dma_semaphore, #tpu.memory_space<semaphore_mem>>)
    %dma_start3A_46 = arith.constant 1 : i32
    %dma_start3A_47 = arith.constant 128 : i32
    %dma_start3A_48 = tpu.memref_slice %arg11[%dma_start3A_47] : memref<512xf32, #tpu.memory_space<vmem>> -> memref<128xf32, #tpu.memory_space<vmem>>
    %dma_start3A_49 = arith.constant 0 : i32
    %dma_start3A_50 = tpu.memref_slice %arg9[%dma_start3A_46, %dma_start3A_49] : memref<4x128xi32, #tpu.memory_space<vmem>> -> memref<1x128xi32, #tpu.memory_space<vmem>>
    %dma_start3A_51 = tpu.memref_squeeze %dma_start3A_50 : memref<1x128xi32, #tpu.memory_space<vmem>> -> memref<128xi32, #tpu.memory_space<vmem>>
    %dma_start3A_52 = arith.constant 0 : i32
    %dma_start3A_53 = tpu.memref_slice %arg3[%dma_start3A_52] : memref<1015808xf32, #tpu.memory_space<hbm>> -> memref<1015808xf32, #tpu.memory_space<hbm>>
    tpu.enqueue_indirect_dma source(%dma_start3A_53 : memref<1015808xf32, #tpu.memory_space<hbm>>) target(%dma_start3A_48 : memref<128xf32, #tpu.memory_space<vmem>>) offsets(%dma_start3A_51 : memref<128xi32, #tpu.memory_space<vmem>>) semaphore(%arg13 : memref<!tpu.dma_semaphore, #tpu.memory_space<semaphore_mem>>)
    %dma_start3A_54 = arith.constant 2 : i32
    %dma_start3A_55 = arith.constant 256 : i32
    %dma_start3A_56 = tpu.memref_slice %arg11[%dma_start3A_55] : memref<512xf32, #tpu.memory_space<vmem>> -> memref<128xf32, #tpu.memory_space<vmem>>
    %dma_start3A_57 = arith.constant 0 : i32
    %dma_start3A_58 = tpu.memref_slice %arg9[%dma_start3A_54, %dma_start3A_57] : memref<4x128xi32, #tpu.memory_space<vmem>> -> memref<1x128xi32, #tpu.memory_space<vmem>>
    %dma_start3A_59 = tpu.memref_squeeze %dma_start3A_58 : memref<1x128xi32, #tpu.memory_space<vmem>> -> memref<128xi32, #tpu.memory_space<vmem>>
    %dma_start3A_60 = arith.constant 0 : i32
    %dma_start3A_61 = tpu.memref_slice %arg3[%dma_start3A_60] : memref<1015808xf32, #tpu.memory_space<hbm>> -> memref<1015808xf32, #tpu.memory_space<hbm>>
    tpu.enqueue_indirect_dma source(%dma_start3A_61 : memref<1015808xf32, #tpu.memory_space<hbm>>) target(%dma_start3A_56 : memref<128xf32, #tpu.memory_space<vmem>>) offsets(%dma_start3A_59 : memref<128xi32, #tpu.memory_space<vmem>>) semaphore(%arg13 : memref<!tpu.dma_semaphore, #tpu.memory_space<semaphore_mem>>)
    %dma_start3A_62 = arith.constant 3 : i32
    %dma_start3A_63 = arith.constant 384 : i32
    %dma_start3A_64 = tpu.memref_slice %arg11[%dma_start3A_63] : memref<512xf32, #tpu.memory_space<vmem>> -> memref<128xf32, #tpu.memory_space<vmem>>
    %dma_start3A_65 = arith.constant 0 : i32
    %dma_start3A_66 = tpu.memref_slice %arg9[%dma_start3A_62, %dma_start3A_65] : memref<4x128xi32, #tpu.memory_space<vmem>> -> memref<1x128xi32, #tpu.memory_space<vmem>>
    %dma_start3A_67 = tpu.memref_squeeze %dma_start3A_66 : memref<1x128xi32, #tpu.memory_space<vmem>> -> memref<128xi32, #tpu.memory_space<vmem>>
    %dma_start3A_68 = arith.constant 0 : i32
    %dma_start3A_69 = tpu.memref_slice %arg3[%dma_start3A_68] : memref<1015808xf32, #tpu.memory_space<hbm>> -> memref<1015808xf32, #tpu.memory_space<hbm>>
    tpu.enqueue_indirect_dma source(%dma_start3A_69 : memref<1015808xf32, #tpu.memory_space<hbm>>) target(%dma_start3A_64 : memref<128xf32, #tpu.memory_space<vmem>>) offsets(%dma_start3A_67 : memref<128xi32, #tpu.memory_space<vmem>>) semaphore(%arg13 : memref<!tpu.dma_semaphore, #tpu.memory_space<semaphore_mem>>)
    "tpu.region"() ({
      %run_scoped3A = tpu.sem_alloc : memref<!tpu.dma_semaphore, #tpu.memory_space<semaphore_mem>>
      %dma_start3A_146 = tpu.memref_slice %arg4[%mul3A_2] : memref<16384xf32, #tpu.memory_space<hbm>> -> memref<512xf32, #tpu.memory_space<hbm>>
      %dma_start3A_147 = tpu.memref_slice %arg4[%mul3A_2] : memref<16384xf32, #tpu.memory_space<hbm>> -> memref<512xf32, #tpu.memory_space<hbm>>
      tpu.enqueue_dma source(%dma_start3A_147 : memref<512xf32, #tpu.memory_space<hbm>>) target(%arg12 : memref<512xf32, #tpu.memory_space<vmem>>) target_semaphore(%run_scoped3A : memref<!tpu.dma_semaphore, #tpu.memory_space<semaphore_mem>>)
      %dma_wait3A_148 = tpu.memref_slice %arg4[%mul3A_2] : memref<16384xf32, #tpu.memory_space<hbm>> -> memref<512xf32, #tpu.memory_space<hbm>>
      %dma_wait3A_149 = tpu.memref_slice %arg4[%mul3A_2] : memref<16384xf32, #tpu.memory_space<hbm>> -> memref<512xf32, #tpu.memory_space<hbm>>
      tpu.wait_dma2 semaphore(%run_scoped3A : memref<!tpu.dma_semaphore, #tpu.memory_space<semaphore_mem>>) src(%dma_wait3A_149 : memref<512xf32, #tpu.memory_space<hbm>>) dst(%arg12 : memref<512xf32, #tpu.memory_space<vmem>>)
      tpu.yield
    }) : () -> ()
    %dma_wait3A = arith.constant 0 : i32
    %dma_wait3A_70 = arith.constant 0 : i32
    %dma_wait3A_71 = tpu.memref_slice %arg10[%dma_wait3A_70] : memref<512xf32, #tpu.memory_space<vmem>> -> memref<128xf32, #tpu.memory_space<vmem>>
    %dma_wait3A_72 = arith.constant 0 : i32
    %dma_wait3A_73 = tpu.memref_slice %arg8[%dma_wait3A, %dma_wait3A_72] : memref<4x128xi32, #tpu.memory_space<vmem>> -> memref<1x128xi32, #tpu.memory_space<vmem>>
    %dma_wait3A_74 = tpu.memref_squeeze %dma_wait3A_73 : memref<1x128xi32, #tpu.memory_space<vmem>> -> memref<128xi32, #tpu.memory_space<vmem>>
    %dma_wait3A_75 = arith.constant 0 : i32
    %dma_wait3A_76 = tpu.memref_slice %arg2[%dma_wait3A_75] : memref<1015808xf32, #tpu.memory_space<hbm>> -> memref<1015808xf32, #tpu.memory_space<hbm>>
    tpu.wait_indirect_dma semaphore(%arg13 : memref<!tpu.dma_semaphore, #tpu.memory_space<semaphore_mem>>) src(%dma_wait3A_76 : memref<1015808xf32, #tpu.memory_space<hbm>>) dst(%dma_wait3A_71 : memref<128xf32, #tpu.memory_space<vmem>>)
    %dma_wait3A_77 = arith.constant 1 : i32
    %dma_wait3A_78 = arith.constant 128 : i32
    %dma_wait3A_79 = tpu.memref_slice %arg10[%dma_wait3A_78] : memref<512xf32, #tpu.memory_space<vmem>> -> memref<128xf32, #tpu.memory_space<vmem>>
    %dma_wait3A_80 = arith.constant 0 : i32
    %dma_wait3A_81 = tpu.memref_slice %arg8[%dma_wait3A_77, %dma_wait3A_80] : memref<4x128xi32, #tpu.memory_space<vmem>> -> memref<1x128xi32, #tpu.memory_space<vmem>>
    %dma_wait3A_82 = tpu.memref_squeeze %dma_wait3A_81 : memref<1x128xi32, #tpu.memory_space<vmem>> -> memref<128xi32, #tpu.memory_space<vmem>>
    %dma_wait3A_83 = arith.constant 0 : i32
    %dma_wait3A_84 = tpu.memref_slice %arg2[%dma_wait3A_83] : memref<1015808xf32, #tpu.memory_space<hbm>> -> memref<1015808xf32, #tpu.memory_space<hbm>>
    tpu.wait_indirect_dma semaphore(%arg13 : memref<!tpu.dma_semaphore, #tpu.memory_space<semaphore_mem>>) src(%dma_wait3A_84 : memref<1015808xf32, #tpu.memory_space<hbm>>) dst(%dma_wait3A_79 : memref<128xf32, #tpu.memory_space<vmem>>)
    %dma_wait3A_85 = arith.constant 2 : i32
    %dma_wait3A_86 = arith.constant 256 : i32
    %dma_wait3A_87 = tpu.memref_slice %arg10[%dma_wait3A_86] : memref<512xf32, #tpu.memory_space<vmem>> -> memref<128xf32, #tpu.memory_space<vmem>>
    %dma_wait3A_88 = arith.constant 0 : i32
    %dma_wait3A_89 = tpu.memref_slice %arg8[%dma_wait3A_85, %dma_wait3A_88] : memref<4x128xi32, #tpu.memory_space<vmem>> -> memref<1x128xi32, #tpu.memory_space<vmem>>
    %dma_wait3A_90 = tpu.memref_squeeze %dma_wait3A_89 : memref<1x128xi32, #tpu.memory_space<vmem>> -> memref<128xi32, #tpu.memory_space<vmem>>
    %dma_wait3A_91 = arith.constant 0 : i32
    %dma_wait3A_92 = tpu.memref_slice %arg2[%dma_wait3A_91] : memref<1015808xf32, #tpu.memory_space<hbm>> -> memref<1015808xf32, #tpu.memory_space<hbm>>
    tpu.wait_indirect_dma semaphore(%arg13 : memref<!tpu.dma_semaphore, #tpu.memory_space<semaphore_mem>>) src(%dma_wait3A_92 : memref<1015808xf32, #tpu.memory_space<hbm>>) dst(%dma_wait3A_87 : memref<128xf32, #tpu.memory_space<vmem>>)
    %dma_wait3A_93 = arith.constant 3 : i32
    %dma_wait3A_94 = arith.constant 384 : i32
    %dma_wait3A_95 = tpu.memref_slice %arg10[%dma_wait3A_94] : memref<512xf32, #tpu.memory_space<vmem>> -> memref<128xf32, #tpu.memory_space<vmem>>
    %dma_wait3A_96 = arith.constant 0 : i32
    %dma_wait3A_97 = tpu.memref_slice %arg8[%dma_wait3A_93, %dma_wait3A_96] : memref<4x128xi32, #tpu.memory_space<vmem>> -> memref<1x128xi32, #tpu.memory_space<vmem>>
    %dma_wait3A_98 = tpu.memref_squeeze %dma_wait3A_97 : memref<1x128xi32, #tpu.memory_space<vmem>> -> memref<128xi32, #tpu.memory_space<vmem>>
    %dma_wait3A_99 = arith.constant 0 : i32
    %dma_wait3A_100 = tpu.memref_slice %arg2[%dma_wait3A_99] : memref<1015808xf32, #tpu.memory_space<hbm>> -> memref<1015808xf32, #tpu.memory_space<hbm>>
    tpu.wait_indirect_dma semaphore(%arg13 : memref<!tpu.dma_semaphore, #tpu.memory_space<semaphore_mem>>) src(%dma_wait3A_100 : memref<1015808xf32, #tpu.memory_space<hbm>>) dst(%dma_wait3A_95 : memref<128xf32, #tpu.memory_space<vmem>>)
    %dma_wait3A_101 = arith.constant 0 : i32
    %dma_wait3A_102 = arith.constant 0 : i32
    %dma_wait3A_103 = tpu.memref_slice %arg11[%dma_wait3A_102] : memref<512xf32, #tpu.memory_space<vmem>> -> memref<128xf32, #tpu.memory_space<vmem>>
    %dma_wait3A_104 = arith.constant 0 : i32
    %dma_wait3A_105 = tpu.memref_slice %arg9[%dma_wait3A_101, %dma_wait3A_104] : memref<4x128xi32, #tpu.memory_space<vmem>> -> memref<1x128xi32, #tpu.memory_space<vmem>>
    %dma_wait3A_106 = tpu.memref_squeeze %dma_wait3A_105 : memref<1x128xi32, #tpu.memory_space<vmem>> -> memref<128xi32, #tpu.memory_space<vmem>>
    %dma_wait3A_107 = arith.constant 0 : i32
    %dma_wait3A_108 = tpu.memref_slice %arg3[%dma_wait3A_107] : memref<1015808xf32, #tpu.memory_space<hbm>> -> memref<1015808xf32, #tpu.memory_space<hbm>>
    tpu.wait_indirect_dma semaphore(%arg13 : memref<!tpu.dma_semaphore, #tpu.memory_space<semaphore_mem>>) src(%dma_wait3A_108 : memref<1015808xf32, #tpu.memory_space<hbm>>) dst(%dma_wait3A_103 : memref<128xf32, #tpu.memory_space<vmem>>)
    %dma_wait3A_109 = arith.constant 1 : i32
    %dma_wait3A_110 = arith.constant 128 : i32
    %dma_wait3A_111 = tpu.memref_slice %arg11[%dma_wait3A_110] : memref<512xf32, #tpu.memory_space<vmem>> -> memref<128xf32, #tpu.memory_space<vmem>>
    %dma_wait3A_112 = arith.constant 0 : i32
    %dma_wait3A_113 = tpu.memref_slice %arg9[%dma_wait3A_109, %dma_wait3A_112] : memref<4x128xi32, #tpu.memory_space<vmem>> -> memref<1x128xi32, #tpu.memory_space<vmem>>
    %dma_wait3A_114 = tpu.memref_squeeze %dma_wait3A_113 : memref<1x128xi32, #tpu.memory_space<vmem>> -> memref<128xi32, #tpu.memory_space<vmem>>
    %dma_wait3A_115 = arith.constant 0 : i32
    %dma_wait3A_116 = tpu.memref_slice %arg3[%dma_wait3A_115] : memref<1015808xf32, #tpu.memory_space<hbm>> -> memref<1015808xf32, #tpu.memory_space<hbm>>
    tpu.wait_indirect_dma semaphore(%arg13 : memref<!tpu.dma_semaphore, #tpu.memory_space<semaphore_mem>>) src(%dma_wait3A_116 : memref<1015808xf32, #tpu.memory_space<hbm>>) dst(%dma_wait3A_111 : memref<128xf32, #tpu.memory_space<vmem>>)
    %dma_wait3A_117 = arith.constant 2 : i32
    %dma_wait3A_118 = arith.constant 256 : i32
    %dma_wait3A_119 = tpu.memref_slice %arg11[%dma_wait3A_118] : memref<512xf32, #tpu.memory_space<vmem>> -> memref<128xf32, #tpu.memory_space<vmem>>
    %dma_wait3A_120 = arith.constant 0 : i32
    %dma_wait3A_121 = tpu.memref_slice %arg9[%dma_wait3A_117, %dma_wait3A_120] : memref<4x128xi32, #tpu.memory_space<vmem>> -> memref<1x128xi32, #tpu.memory_space<vmem>>
    %dma_wait3A_122 = tpu.memref_squeeze %dma_wait3A_121 : memref<1x128xi32, #tpu.memory_space<vmem>> -> memref<128xi32, #tpu.memory_space<vmem>>
    %dma_wait3A_123 = arith.constant 0 : i32
    %dma_wait3A_124 = tpu.memref_slice %arg3[%dma_wait3A_123] : memref<1015808xf32, #tpu.memory_space<hbm>> -> memref<1015808xf32, #tpu.memory_space<hbm>>
    tpu.wait_indirect_dma semaphore(%arg13 : memref<!tpu.dma_semaphore, #tpu.memory_space<semaphore_mem>>) src(%dma_wait3A_124 : memref<1015808xf32, #tpu.memory_space<hbm>>) dst(%dma_wait3A_119 : memref<128xf32, #tpu.memory_space<vmem>>)
    %dma_wait3A_125 = arith.constant 3 : i32
    %dma_wait3A_126 = arith.constant 384 : i32
    %dma_wait3A_127 = tpu.memref_slice %arg11[%dma_wait3A_126] : memref<512xf32, #tpu.memory_space<vmem>> -> memref<128xf32, #tpu.memory_space<vmem>>
    %dma_wait3A_128 = arith.constant 0 : i32
    %dma_wait3A_129 = tpu.memref_slice %arg9[%dma_wait3A_125, %dma_wait3A_128] : memref<4x128xi32, #tpu.memory_space<vmem>> -> memref<1x128xi32, #tpu.memory_space<vmem>>
    %dma_wait3A_130 = tpu.memref_squeeze %dma_wait3A_129 : memref<1x128xi32, #tpu.memory_space<vmem>> -> memref<128xi32, #tpu.memory_space<vmem>>
    %dma_wait3A_131 = arith.constant 0 : i32
    %dma_wait3A_132 = tpu.memref_slice %arg3[%dma_wait3A_131] : memref<1015808xf32, #tpu.memory_space<hbm>> -> memref<1015808xf32, #tpu.memory_space<hbm>>
    tpu.wait_indirect_dma semaphore(%arg13 : memref<!tpu.dma_semaphore, #tpu.memory_space<semaphore_mem>>) src(%dma_wait3A_132 : memref<1015808xf32, #tpu.memory_space<hbm>>) dst(%dma_wait3A_127 : memref<128xf32, #tpu.memory_space<vmem>>)
    %get3A = arith.constant 0 : index
    %get3A_133 = tpu.vector_load %arg10[%get3A] {strides = array<i32>} : memref<512xf32, #tpu.memory_space<vmem>>, vector<512xf32>,
    %get3A_134 = vector.shape_cast %get3A_133 : vector<512xf32> to vector<512xf32>
    %get3A_135 = arith.constant 0 : index
    %get3A_136 = tpu.vector_load %arg11[%get3A_135] {strides = array<i32>} : memref<512xf32, #tpu.memory_space<vmem>>, vector<512xf32>,
    %get3A_137 = vector.shape_cast %get3A_136 : vector<512xf32> to vector<512xf32>
    %add3A_138 = arith.addf %get3A_134, %get3A_137 : vector<512xf32>
    %get3A_139 = arith.constant 0 : index
    %get3A_140 = tpu.vector_load %arg12[%get3A_139] {strides = array<i32>} : memref<512xf32, #tpu.memory_space<vmem>>, vector<512xf32>,
    %get3A_141 = vector.shape_cast %get3A_140 : vector<512xf32> to vector<512xf32>
    %add3A_142 = arith.addf %add3A_138, %get3A_141 : vector<512xf32>
    %swap3A = arith.constant 0 : index
    %swap3A_143 = tpu.vector_load %arg10[%swap3A] {strides = array<i32>} : memref<512xf32, #tpu.memory_space<vmem>>, vector<512xf32>,
    %swap3A_144 = vector.shape_cast %swap3A_143 : vector<512xf32> to vector<512xf32>
    %swap3A_145 = vector.shape_cast %add3A_142 : vector<512xf32> to vector<512xf32>
    tpu.vector_store %arg10[%swap3A], %swap3A_145 {strides = array<i32>} : memref<512xf32, #tpu.memory_space<vmem>>, vector<512xf32>,
    "tpu.region"() ({
      %run_scoped3A = tpu.sem_alloc : memref<!tpu.dma_semaphore, #tpu.memory_space<semaphore_mem>>
      %dma_start3A_146 = tpu.memref_slice %arg7[%mul3A_2] : memref<16384xf32, #tpu.memory_space<hbm>> -> memref<512xf32, #tpu.memory_space<hbm>>
      %dma_start3A_147 = tpu.memref_slice %arg7[%mul3A_2] : memref<16384xf32, #tpu.memory_space<hbm>> -> memref<512xf32, #tpu.memory_space<hbm>>
      tpu.enqueue_dma source(%arg10 : memref<512xf32, #tpu.memory_space<vmem>>) target(%dma_start3A_147 : memref<512xf32, #tpu.memory_space<hbm>>) target_semaphore(%run_scoped3A : memref<!tpu.dma_semaphore, #tpu.memory_space<semaphore_mem>>)
      %dma_wait3A_148 = tpu.memref_slice %arg7[%mul3A_2] : memref<16384xf32, #tpu.memory_space<hbm>> -> memref<512xf32, #tpu.memory_space<hbm>>
      %dma_wait3A_149 = tpu.memref_slice %arg7[%mul3A_2] : memref<16384xf32, #tpu.memory_space<hbm>> -> memref<512xf32, #tpu.memory_space<hbm>>
      tpu.wait_dma2 semaphore(%run_scoped3A : memref<!tpu.dma_semaphore, #tpu.memory_space<semaphore_mem>>) src(%arg10 : memref<512xf32, #tpu.memory_space<vmem>>) dst(%dma_wait3A_149 : memref<512xf32, #tpu.memory_space<hbm>>)
      tpu.yield
    }) : () -> ()
    return
  }
}

module attributes {stable_mosaic.version = 14 : i64} {
  func.func @_pv_body(%arg0: i32, %arg1: memref<1x64xf32, #tpu.memory_space<vmem>>, %arg2: memref<32x32768xf32, #tpu.memory_space<vmem>>, %arg3: memref<32x32768xf32, #tpu.memory_space<vmem>>, %arg4: memref<16x16384xf32, #tpu.memory_space<vmem>>, %arg5: memref<16x16384xf32, #tpu.memory_space<vmem>>, %arg6: memref<16x32xf32, #tpu.memory_space<vmem>>, %arg7: memref<16x32xf32, #tpu.memory_space<vmem>>, %arg8: memref<1x32xf32, #tpu.memory_space<vmem>>, %arg9: memref<1x32xf32, #tpu.memory_space<vmem>>, %arg10: memref<1x1xf32, #tpu.memory_space<vmem>>, %arg11: memref<32768xf32, #tpu.memory_space<vmem>>, %arg12: memref<32768xf32, #tpu.memory_space<vmem>>, %arg13: memref<1x16384xf32, #tpu.memory_space<vmem>>) attributes {dimension_semantics = [#tpu.dimension_semantics<arbitrary>], iteration_bounds = array<i64: 31>, scalar_prefetch = 0 : i64, scratch_operands = 0 : i64, tpu.core_type = #tpu.core_type<tc>, window_params = [{pipeline_mode = #tpu.pipeline_mode<synchronous>, transform_indices = @transform_0, window_bounds = array<i64: 1, 64>}, {transform_indices = @transform_1, window_bounds = array<i64: 32, 32768>}, {transform_indices = @transform_2, window_bounds = array<i64: 32, 32768>}, {pipeline_mode = #tpu.pipeline_mode<synchronous>, transform_indices = @transform_3, window_bounds = array<i64: 16, 16384>}, {pipeline_mode = #tpu.pipeline_mode<synchronous>, transform_indices = @transform_4, window_bounds = array<i64: 16, 16384>}, {pipeline_mode = #tpu.pipeline_mode<synchronous>, transform_indices = @transform_5, window_bounds = array<i64: 16, 32>}, {pipeline_mode = #tpu.pipeline_mode<synchronous>, transform_indices = @transform_6, window_bounds = array<i64: 16, 32>}, {pipeline_mode = #tpu.pipeline_mode<synchronous>, transform_indices = @transform_7, window_bounds = array<i64: 1, 32>}, {pipeline_mode = #tpu.pipeline_mode<synchronous>, transform_indices = @transform_8, window_bounds = array<i64: 1, 32>}, {pipeline_mode = #tpu.pipeline_mode<synchronous>, transform_indices = @transform_9, window_bounds = array<i64: 1, 1>}, {transform_indices = @transform_10, window_bounds = array<i64: 32768>}, {transform_indices = @transform_11, window_bounds = array<i64: 32768>}, {pipeline_mode = #tpu.pipeline_mode<synchronous>, transform_indices = @transform_12, window_bounds = array<i64: 1, 16384>}]} {
    %get3A = arith.constant 0 : index
    %get3A_0 = arith.constant 0 : index
    %get3A_1 = vector.load %arg1[%get3A, %get3A_0] : memref<1x64xf32, #tpu.memory_space<vmem>>, vector<1x32xf32>
    %get3A_2 = arith.constant 0 : index
    %get3A_3 = arith.constant 32 : index
    %get3A_4 = vector.load %arg1[%get3A_2, %get3A_3] : memref<1x64xf32, #tpu.memory_space<vmem>>, vector<1x32xf32>
    %get3A_5 = arith.constant 0 : index
    %get3A_6 = arith.constant 0 : index
    %get3A_7 = vector.load %arg2[%get3A_5, %get3A_6] : memref<32x32768xf32, #tpu.memory_space<vmem>>, vector<32x32768xf32>
    %dot_general3A = arith.constant dense<0.000000e+00> : vector<1x32768xf32>
    %dot_general3A_8 = tpu.matmul %get3A_1, %get3A_7, %dot_general3A {dimension_numbers = #tpu.dot_dimension_numbers<[1], [0], [0], [1], [0, 0, 1, 1], [], []>, transpose_lhs_hint = false} : vector<1x32xf32>, vector<32x32768xf32>, vector<1x32768xf32> -> vector<1x32768xf32>
    %reshape3A = vector.shape_cast %dot_general3A_8 : vector<1x32768xf32> to vector<32768xf32>
    %swap3A = arith.constant 0 : index
    %swap3A_9 = vector.load %arg11[%swap3A] : memref<32768xf32, #tpu.memory_space<vmem>>, vector<32768xf32>
    tpu.vector_store %arg11[%swap3A], %reshape3A {strides = array<i32>} : memref<32768xf32, #tpu.memory_space<vmem>>, vector<32768xf32>,
    %get3A_10 = arith.constant 0 : index
    %get3A_11 = arith.constant 0 : index
    %get3A_12 = vector.load %arg3[%get3A_10, %get3A_11] : memref<32x32768xf32, #tpu.memory_space<vmem>>, vector<32x32768xf32>
    %dot_general3A_13 = arith.constant dense<0.000000e+00> : vector<1x32768xf32>
    %dot_general3A_14 = tpu.matmul %get3A_4, %get3A_12, %dot_general3A_13 {dimension_numbers = #tpu.dot_dimension_numbers<[1], [0], [0], [1], [0, 0, 1, 1], [], []>, transpose_lhs_hint = false} : vector<1x32xf32>, vector<32x32768xf32>, vector<1x32768xf32> -> vector<1x32768xf32>
    %reshape3A_15 = vector.shape_cast %dot_general3A_14 : vector<1x32768xf32> to vector<32768xf32>
    %swap3A_16 = arith.constant 0 : index
    %swap3A_17 = vector.load %arg12[%swap3A_16] : memref<32768xf32, #tpu.memory_space<vmem>>, vector<32768xf32>
    tpu.vector_store %arg12[%swap3A_16], %reshape3A_15 {strides = array<i32>} : memref<32768xf32, #tpu.memory_space<vmem>>, vector<32768xf32>,
    %eq3A = arith.constant 0 : i32
    %eq3A_18 = arith.cmpi eq, %arg0, %eq3A : i32
    %convert_element_type3A = arith.extui %eq3A_18 : i1 to i32
    %cond3A = arith.constant 0 : i32
    %cond3A_19 = arith.cmpi ne, %convert_element_type3A, %cond3A : i32
    scf.if %cond3A_19 {
      %get3A_20 = arith.constant 0 : index
      %get3A_21 = arith.constant 0 : index
      %get3A_22 = vector.load %arg6[%get3A_20, %get3A_21] : memref<16x32xf32, #tpu.memory_space<vmem>>, vector<16x32xf32>
      %dot_general3A_23 = arith.constant dense<0.000000e+00> : vector<16x1xf32>
      %dot_general3A_24 = tpu.matmul %get3A_22, %get3A_1, %dot_general3A_23 {dimension_numbers = #tpu.dot_dimension_numbers<[1], [1], [0], [0], [0, 0, 1, 0], [], []>, transpose_lhs_hint = false} : vector<16x32xf32>, vector<1x32xf32>, vector<16x1xf32> -> vector<16x1xf32>
      %get3A_25 = arith.constant 0 : index
      %get3A_26 = arith.constant 0 : index
      %get3A_27 = vector.load %arg7[%get3A_25, %get3A_26] : memref<16x32xf32, #tpu.memory_space<vmem>>, vector<16x32xf32>
      %dot_general3A_28 = arith.constant dense<0.000000e+00> : vector<16x1xf32>
      %dot_general3A_29 = tpu.matmul %get3A_27, %get3A_4, %dot_general3A_28 {dimension_numbers = #tpu.dot_dimension_numbers<[1], [1], [0], [0], [0, 0, 1, 0], [], []>, transpose_lhs_hint = false} : vector<16x32xf32>, vector<1x32xf32>, vector<16x1xf32> -> vector<16x1xf32>
      %get3A_30 = arith.constant 0 : index
      %get3A_31 = arith.constant 0 : index
      %get3A_32 = vector.load %arg4[%get3A_30, %get3A_31] : memref<16x16384xf32, #tpu.memory_space<vmem>>, vector<16x16384xf32>
      %dot_general3A_33 = arith.constant dense<0.000000e+00> : vector<1x16384xf32>
      %dot_general3A_34 = tpu.matmul %dot_general3A_24, %get3A_32, %dot_general3A_33 {dimension_numbers = #tpu.dot_dimension_numbers<[0], [0], [1], [1], [0, 1, 1, 1], [], []>, transpose_lhs_hint = false} : vector<16x1xf32>, vector<16x16384xf32>, vector<1x16384xf32> -> vector<1x16384xf32>
      %get3A_35 = arith.constant 0 : index
      %get3A_36 = arith.constant 0 : index
      %get3A_37 = vector.load %arg5[%get3A_35, %get3A_36] : memref<16x16384xf32, #tpu.memory_space<vmem>>, vector<16x16384xf32>
      %dot_general3A_38 = arith.constant dense<0.000000e+00> : vector<1x16384xf32>
      %dot_general3A_39 = tpu.matmul %dot_general3A_29, %get3A_37, %dot_general3A_38 {dimension_numbers = #tpu.dot_dimension_numbers<[0], [0], [1], [1], [0, 1, 1, 1], [], []>, transpose_lhs_hint = false} : vector<16x1xf32>, vector<16x16384xf32>, vector<1x16384xf32> -> vector<1x16384xf32>
      %get3A_40 = arith.constant 0 : index
      %get3A_41 = arith.constant 0 : index
      %get3A_42 = vector.load %arg8[%get3A_40, %get3A_41] : memref<1x32xf32, #tpu.memory_space<vmem>>, vector<1x32xf32>
      %mul3A = arith.mulf %get3A_42, %get3A_1 : vector<1x32xf32>
      %reduce_sum3A = vector.shape_cast %mul3A : vector<1x32xf32> to vector<1x1x32xf32>
      %reduce_sum3A_43 = arith.constant dense<0.000000e+00> : vector<1xf32>
      %reduce_sum3A_44 = vector.multi_reduction <add>, %reduce_sum3A, %reduce_sum3A_43 [1, 2] : vector<1x1x32xf32> to vector<1xf32>
      %reduce_sum3A_45 = vector.shape_cast %reduce_sum3A_44 : vector<1xf32> to vector<1x1x1xf32>
      %reduce_sum3A_46 = vector.extract %reduce_sum3A_45[0, 0, 0] : f32 from vector<1x1x1xf32>
      %get3A_47 = arith.constant 0 : index
      %get3A_48 = arith.constant 0 : index
      %get3A_49 = vector.load %arg9[%get3A_47, %get3A_48] : memref<1x32xf32, #tpu.memory_space<vmem>>, vector<1x32xf32>
      %mul3A_50 = arith.mulf %get3A_49, %get3A_4 : vector<1x32xf32>
      %reduce_sum3A_51 = vector.shape_cast %mul3A_50 : vector<1x32xf32> to vector<1x1x32xf32>
      %reduce_sum3A_52 = arith.constant dense<0.000000e+00> : vector<1xf32>
      %reduce_sum3A_53 = vector.multi_reduction <add>, %reduce_sum3A_51, %reduce_sum3A_52 [1, 2] : vector<1x1x32xf32> to vector<1xf32>
      %reduce_sum3A_54 = vector.shape_cast %reduce_sum3A_53 : vector<1xf32> to vector<1x1x1xf32>
      %reduce_sum3A_55 = vector.extract %reduce_sum3A_54[0, 0, 0] : f32 from vector<1x1x1xf32>
      %add3A = arith.addf %reduce_sum3A_46, %reduce_sum3A_55 : f32
      %get3A_56 = arith.constant 0 : index
      %get3A_57 = arith.constant 0 : index
      %get3A_58 = vector.load %arg10[%get3A_56, %get3A_57] : memref<1x1xf32, #tpu.memory_space<vmem>>, vector<1x1xf32>
      %get3A_59 = vector.extract %get3A_58[0, 0] : f32 from vector<1x1xf32>
      %add3A_60 = arith.addf %add3A, %get3A_59 : f32
      %add3A_61 = arith.addf %dot_general3A_34, %dot_general3A_39 : vector<1x16384xf32>
      %add3A_62 = vector.broadcast %add3A_60 : f32 to vector<1x16384xf32>
      %add3A_63 = arith.addf %add3A_61, %add3A_62 : vector<1x16384xf32>
      %swap3A_64 = arith.constant 0 : index
      %swap3A_65 = arith.constant 0 : index
      %swap3A_66 = vector.load %arg13[%swap3A_64, %swap3A_65] : memref<1x16384xf32, #tpu.memory_space<vmem>>, vector<1x16384xf32>
      tpu.vector_store %arg13[%swap3A_64, %swap3A_65], %add3A_63 {strides = array<i32>} : memref<1x16384xf32, #tpu.memory_space<vmem>>, vector<1x16384xf32>,
    } else {
    }
    return
  }
  func.func @transform_0(%arg0: i32) -> (i32, i32) {
    %c0_i32 = arith.constant 0 : i32
    %c0_i32_0 = arith.constant 0 : i32
    %c0_i32_1 = arith.constant 0 : i32
    return %c0_i32, %c0_i32_0 : i32, i32
  }
  func.func @transform_1(%arg0: i32) -> (i32, i32) {
    %c0_i32 = arith.constant 0 : i32
    %c0_i32_0 = arith.constant 0 : i32
    return %c0_i32, %arg0 : i32, i32
  }
  func.func @transform_2(%arg0: i32) -> (i32, i32) {
    %c0_i32 = arith.constant 0 : i32
    %c0_i32_0 = arith.constant 0 : i32
    return %c0_i32, %arg0 : i32, i32
  }
  func.func @transform_3(%arg0: i32) -> (i32, i32) {
    %c0_i32 = arith.constant 0 : i32
    %c0_i32_0 = arith.constant 0 : i32
    %c0_i32_1 = arith.constant 0 : i32
    return %c0_i32, %c0_i32_0 : i32, i32
  }
  func.func @transform_4(%arg0: i32) -> (i32, i32) {
    %c0_i32 = arith.constant 0 : i32
    %c0_i32_0 = arith.constant 0 : i32
    %c0_i32_1 = arith.constant 0 : i32
    return %c0_i32, %c0_i32_0 : i32, i32
  }
  func.func @transform_5(%arg0: i32) -> (i32, i32) {
    %c0_i32 = arith.constant 0 : i32
    %c0_i32_0 = arith.constant 0 : i32
    %c0_i32_1 = arith.constant 0 : i32
    return %c0_i32, %c0_i32_0 : i32, i32
  }
  func.func @transform_6(%arg0: i32) -> (i32, i32) {
    %c0_i32 = arith.constant 0 : i32
    %c0_i32_0 = arith.constant 0 : i32
    %c0_i32_1 = arith.constant 0 : i32
    return %c0_i32, %c0_i32_0 : i32, i32
  }
  func.func @transform_7(%arg0: i32) -> (i32, i32) {
    %c0_i32 = arith.constant 0 : i32
    %c0_i32_0 = arith.constant 0 : i32
    %c0_i32_1 = arith.constant 0 : i32
    return %c0_i32, %c0_i32_0 : i32, i32
  }
  func.func @transform_8(%arg0: i32) -> (i32, i32) {
    %c0_i32 = arith.constant 0 : i32
    %c0_i32_0 = arith.constant 0 : i32
    %c0_i32_1 = arith.constant 0 : i32
    return %c0_i32, %c0_i32_0 : i32, i32
  }
  func.func @transform_9(%arg0: i32) -> (i32, i32) {
    %c0_i32 = arith.constant 0 : i32
    %c0_i32_0 = arith.constant 0 : i32
    %c0_i32_1 = arith.constant 0 : i32
    return %c0_i32, %c0_i32_0 : i32, i32
  }
  func.func @transform_10(%arg0: i32) -> i32 {
    %c0_i32 = arith.constant 0 : i32
    return %arg0 : i32
  }
  func.func @transform_11(%arg0: i32) -> i32 {
    %c0_i32 = arith.constant 0 : i32
    return %arg0 : i32
  }
  func.func @transform_12(%arg0: i32) -> (i32, i32) {
    %c0_i32 = arith.constant 0 : i32
    %c0_i32_0 = arith.constant 0 : i32
    %c0_i32_1 = arith.constant 0 : i32
    return %c0_i32, %c0_i32_0 : i32, i32
  }
}

</mosaic_0001>

<sc_bundles>
// kernel: kernel.4.cloned.1.call-start
scs
__scs_entry_jumppad:
0x0: {  	(pc) =	sbr.rel $0x88, $3  }
0x1: {  	(tag) =	ssettag $0x0;
	lr =	simm.s32 $0x1  }
0x2: {  	[smem:$0x3F95] =	sst lr;
	_ =	strace $0xD0000000  }
0x3: {  	_ = 	snop  }
0x4: {  	_ = 	snop  }
0x5: {  	_ = 	snop  }
0x6: {  	_ = 	snop  }
0x7: {  	_ = 	snop  }
__scs_overlays_trampoline_lowered:
0x8: {  	[smem:$0x3FA4] =	sst s0  }
0x9: {  	[smem:$0x3FA5] =	sst s1  }
0xa: {  	[smem:$0x3FA6] =	sst s2  }
0xb: {  	[smem:$0x3FA7] =	sst s3  }
0xc: {  	[smem:$0x3FA8] =	sst s4  }
0xd: {  	[smem:$0x3FA9] =	sst s5  }
0xe: {  	[smem:$0x3FAA] =	sst s6  }
0xf: {  	[smem:$0x3FAB] =	sst s7  }
0x10: {  	[smem:$0x3FAC] =	sst s8  }
0x11: {  	[smem:$0x3FAD] =	sst s9;
	s0 =	simm.s32 @!p0 $0x0  }
0x12: {  	s1 =	sld [smem:$0x3F93];
	s0 =	simm.s32 @p0 $0x1  }
0x13: {  	[smem:$0x3FAE] =	sst s0;
	s0 =	simm.s32 @!p1 $0x0  }
0x14: {  	s2 =	sld [smem:$0x3F92];
	s0 =	simm.s32 @p1 $0x1  }
0x15: {  	[smem:$0x3FAF] =	sst s0;
	s0 =	simm.s32 @!p2 $0x0  }
0x16: {  	s3 =	sld [smem:$0x3FDB];
	s0 =	simm.s32 @p2 $0x1  }
0x17: {  	s4 =	simm.s32 $0x1BF5;
	[smem:$0x3FB1] =	sst s0  }
0x18: {  	s0 =	sld [smem:$0x3F94];
	_ =	swait.ge [sflag:s4], $0x0  }
0x19: {  	s7 =	sld [smem:$0x3F95]  }
0x1a: {  	s8 =	sadd.s32 $0xFFFFE003, lr  }
0x1b: {  	s9 =	sadd.s32 $0xFFFFFEF7, lr;
	s5 =	simm.s32 $0xFFFFFFFF;
	p2 =	slt.u32 s8, $0xFFFFF086  }
0x1c: {  	p1 =	slt.u32 s9, $0xF7A;
	s5 =	simm.s32 @!p2 $0x0  }
0x1d: {  	s5 =	simm.s32 @p1 $0x1;
	p0 =	seq.s32 s7, s2  }
0x1e: {  	s7 =	smul.u32 @!p0 $0xF7A, s2;
	p2 =	seq.s32 @!p0 s5, $0x0  }
0x1f: {  	s9 =	smul.u32 $0xF7A, s1;
	s8 =	simm.s32 @!p0 $0x1BF5;
	p2 =	por !p2, p0  }
0x20: {  	[sflag:s8] =	ssyncset.s32 @!p0 $0xFFFFF086;
	s6 =	sadd.s32 @!p0 s3, s7;
	s7 =	simm.s32 @!p0 $0x108  }
0x21: {  	s3 =	sadd.s32 s3, s9;
	s6 =	sadd.s32 @!p0 $0x88, s6;
	s7 =	simm.s32 @p2 $0x1082  }
0x22: {  	[simem:s7], [sflag:s8] =	dma.local @!p0 [hbm:s6], $0xF7A  }
0x23: {  	s9 =	sor.u32 $0xD0000000, s2;
	s6 =	simm.s32 $0x108;
	_ =	swait.ge @!p0 [sflag:s8], $0x0  }
0x24: {  	s3 =	sadd.s32 $0x88, s3;
	s6 =	simm.s32 @!p1 $0x1082;
	[sflag:s4] =	ssyncset.s32 $0xFFFFF086  }
0x25: {  	[simem:s6], [sflag:s4] =	dma.local [hbm:s3], $0xF7A  }
0x26: {  	[smem:$0x3F95] =	sst s1;
	(tag) =	ssettag s2;
	_ =	strace s9  }
0x27: {  	s1 =	sld [smem:$0x3FA5]  }
0x28: {  	s2 =	sld [smem:$0x3FA6]  }
0x29: {  	s4 =	sld [smem:$0x3FA8]  }
0x2a: {  	p0 =	seq.s32 s5, $0x0;
	s5 =	sld [smem:$0x3FA9]  }
0x2b: {  	s6 =	sld [smem:$0x3FAA]  }
0x2c: {  	s7 =	sld [smem:$0x3FAB]  }
0x2d: {  	s3 =	simm.s32 $0x108;
	s8 =	sld [smem:$0x3FAC]  }
0x2e: {  	s3 =	simm.s32 @!p0 $0x1082;
	s9 =	sld [smem:$0x3FAD]  }
0x2f: {  	lr =	sadd.s32 s0, s3;
	s0 =	sld [smem:$0x3FA4]  }
0x30: {  	s3 =	sld [smem:$0x3FA7]  }
0x31: {  	[smem:$0x3FB0] =	sst s10  }
0x32: {  	s10 =	sld [smem:$0x3FAE];
	_ =	sdelay $0x3  }
0x33: {  	p0 =	seq.s32 s10, $0x1;
	s10 =	sld [smem:$0x3FB0];
	_ =	sdelay $0x3  }
0x34: {  	[smem:$0x3FB0] =	sst s10  }
0x35: {  	s10 =	sld [smem:$0x3FAF];
	_ =	sdelay $0x3  }
0x36: {  	p1 =	seq.s32 s10, $0x1;
	s10 =	sld [smem:$0x3FB0];
	_ =	sdelay $0x3  }
0x37: {  	[smem:$0x3FB0] =	sst s10  }
0x38: {  	s10 =	sld [smem:$0x3FB1]  }
0x39: {  	_ = 	snop;
	(pc) =	sbr.ind lr, $3  }
0x3a: {  	_ = 	snop  }
0x3b: {  	_ = 	snop  }
0x3c: {  	p2 =	seq.s32 s10, $0x1;
	s10 =	sld [smem:$0x3FB0]  }
0x3d: {  	_ =	shalt  }
0x3e: {  	_ =	shalt  }
0x3f: {  	_ =	shalt  }
0x40: {  	_ =	shalt  }
0x41: {  	_ =	shalt  }
0x42: {  	_ =	shalt  }
0x43: {  	_ =	shalt  }
0x44: {  	_ =	shalt  }
0x45: {  	_ =	shalt  }
0x46: {  	_ =	shalt  }
0x47: {  	_ =	shalt  }
0x48: {  	_ =	shalt  }
0x49: {  	_ =	shalt  }
0x4a: {  	_ =	shalt  }
0x4b: {  	_ =	shalt  }
0x4c: {  	_ =	shalt  }
0x4d: {  	_ =	shalt  }
0x4e: {  	_ =	shalt  }
0x4f: {  	_ =	shalt  }
0x50: {  	_ =	shalt  }
0x51: {  	_ =	shalt  }
0x52: {  	_ =	shalt  }
0x53: {  	_ =	shalt  }
0x54: {  	_ =	shalt  }
0x55: {  	_ =	shalt  }
0x56: {  	_ =	shalt  }
0x57: {  	_ =	shalt  }
0x58: {  	_ =	shalt  }
0x59: {  	_ =	shalt  }
0x5a: {  	_ =	shalt  }
0x5b: {  	_ =	shalt  }
0x5c: {  	_ =	shalt  }
0x5d: {  	_ =	shalt  }
0x5e: {  	_ =	shalt  }
0x5f: {  	_ =	shalt  }
0x60: {  	_ =	shalt  }
0x61: {  	_ =	shalt  }
0x62: {  	_ =	shalt  }
0x63: {  	_ =	shalt  }
0x64: {  	_ =	shalt  }
0x65: {  	_ =	shalt  }
0x66: {  	_ =	shalt  }
0x67: {  	_ =	shalt  }
0x68: {  	_ =	shalt  }
0x69: {  	_ =	shalt  }
0x6a: {  	_ =	shalt  }
0x6b: {  	_ =	shalt  }
0x6c: {  	_ =	shalt  }
0x6d: {  	_ =	shalt  }
0x6e: {  	_ =	shalt  }
0x6f: {  	_ =	shalt  }
0x70: {  	_ =	shalt  }
0x71: {  	_ =	shalt  }
0x72: {  	_ =	shalt  }
0x73: {  	_ =	shalt  }
0x74: {  	_ =	shalt  }
0x75: {  	_ =	shalt  }
0x76: {  	_ =	shalt  }
0x77: {  	_ =	shalt  }
0x78: {  	_ =	shalt  }
0x79: {  	_ =	shalt  }
0x7a: {  	_ =	shalt  }
0x7b: {  	_ =	shalt  }
0x7c: {  	_ =	shalt  }
0x7d: {  	_ =	shalt  }
0x7e: {  	_ =	shalt  }
0x7f: {  	_ =	shalt  }
0x80: {  	_ =	shalt  }
0x81: {  	_ =	shalt  }
0x82: {  	_ =	shalt  }
0x83: {  	_ =	shalt  }
0x84: {  	_ =	shalt  }
0x85: {  	_ =	shalt  }
0x86: {  	_ =	shalt  }
0x87: {  	_ =	shalt  }
.Lfunc_end0:
.L_simem_size_0:
called_computation_lowered:
.L_overlay_start_0:
0x88: {  	s2 =	sld [smem:$0x3FD9]  }
0x89: {  	s3 =	sld [smem:$0x3FFE];
	_ =	sdelay $0x1  }
0x8a: {  	s1 =	srdreg.scid  }
0x8b: {  	s0 =	sand.u32 $0x1, s1  }
0x8c: {  	s17 =	sshll.u32 s0, $0xA;
	s2 =	sadd.s32 s3, s2  }
0x8d: {  	s2 =	sadd.s32 s2, s17  }
0x8e: {  	[smem:$0x3FBC] =	sst s2  }
0x8f: {  	_ = 	snop  }
0x90: {  	s2 =	sld [smem:$0x3FC9]  }
0x91: {  	s18 =	sld [smem:$0x3FC8]  }
0x92: {  	s4 =	sld [smem:$0x3FD0];
	(tm) =	ssettm $0x1  }
0x93: {  	s5 =	sld [smem:$0x3FFB];
	_ =	sdelay $0x3  }
0x94: {  	_ =	strace s5  }
0x95: {  	s5 =	sld [smem:$0x3FFC];
	_ =	sdelay $0x3  }
0x96: {  	_ =	strace s5  }
0x97: {  	s5 =	sld [smem:$0x3FFD];
	_ =	sdelay $0x3  }
0x98: {  	_ =	strace s5  }
0x99: {  	_ =	strace $0x8FFFFFFF  }
0x9a: {  	s19 =	sld [smem:$0x3FDB];
	_ =	sdelay $0x1  }
0x9b: {  	s6 =	simm.s32 $_scs_section_size  }
0x9c: {  	s7 =	simm.s32 $_size__tile_overlayer_lowered;
	s8 =	simm.s32 $_tile_overlayer_lowered  }
0x9d: {  	s22 =	simm.s32 $0x1BFF;
	s21 =	sshll.u32 s8, $0x1;
	s5 =	sadd.s32 s6, s19  }
0x9e: {  	s9 =	simm.s32 $0x0;
	s20 =	sshll.u32 s7, $0x1;
	s7 =	sadd.s32 s21, s5  }
0x9f: {  	[timem:s9], [sflag:s22] =	dma.local [hbm:s7], s20  }
0xa0: {  	_ =	swait.ge [sflag:s22], s20  }
0xa1: {  	s6 =	ssub.s32 $0x0, s20;
	[sflag:s22] =	ssyncset.done $0x0  }
0xa2: {  	[sflag:s22] =	ssyncadd.s32 s6;
	_ =	sdelay $0x1  }
0xa3: {  	s23 =	simm.s32 $0x1B8B  }
0xa4: {  	_ =	swait.ge [sflag:s23], $0x1  }
0xa5: {  	[sflag:s23] =	ssyncset.done $0x0  }
0xa6: {  	s25 =	simm.s32 $0x1B8E;
	s24 =	sld [smem:$0x3FFE];
	[sflag:s23] =	ssyncadd.s32 $0xFFFFFFFF  }
0xa7: {  	s26 =	simm.s32 $execute0_lowered;
	[smem:$0x3FD2] =	sst s25  }
0xa8: {  	s7 =	sshll.u32 s26, $0x1;
	_ =	strace $0x80000046;
	[dreg:$0x1] =	wrdreg $0xFFFFFFFF  }
0xa9: {  	s28 =	simm.s32 $_size_execute0_lowered;
	s5 =	sadd.s32 s5, s7;
	[dreg:$0x0] =	wrdreg $0x0  }
0xaa: {  	s7 =	sshll.u32 s28, $0x1;
	[dreg:$0x2] =	wrdreg s5  }
0xab: {  	[dreg:$0x3] =	wrdreg s7  }
0xac: {  	[dreg:$0x4] =	wrdreg $0xC0  }
0xad: {  	_ =	task [dreg:s9], $0x5FFFF  }
0xae: {  	[dreg:$0x1] =	wrdreg $0xFFFFFFFF  }
0xaf: {  	[dreg:$0x0] =	wrdreg $0x60  }
0xb0: {  	[dreg:$0x2] =	wrdreg s24  }
0xb1: {  	[dreg:$0x3] =	wrdreg s2  }
0xb2: {  	[dreg:$0x4] =	wrdreg s18  }
0xb3: {  	[dreg:$0x5] =	wrdreg s4  }
0xb4: {  	[dreg:$0x6] =	wrdreg $0x9  }
0xb5: {  	_ =	task.clear_ibuf [dreg:s9], $0x7FFFF;
	_ =	strace $0x90000046  }
0xb6: {  	s29 =	simm.s32 $0x9;
	_ =	strace $0x80000048  }
0xb7: {  	_ =	swait.ge [sflag:s29], $0x1  }
0xb8: {  	[sflag:s29] =	ssyncadd.s32 $0xFFFFFFFF  }
0xb9: {  	_ =	strace $0x90000048  }
0xba: {  	_ =	sfence  }
0xbb: {  	s30 =	sld [smem:$0x0];
	_ =	sdelay $0x2  }
0xbc: {  	s31 =	sshll.u32 s1, $0xD;
	s1 =	sshrl.u32 s1, $0x2  }
0xbd: {  	s3 =	sand.u32 $0x4000, s31;
	s1 =	sadd.s32 s1, s30  }
0xbe: {  	s0 =	sor.u32 s3, s0;
	s1 =	sshll.u32 s1, $0x11  }
0xbf: {  	s0 =	sor.u32 s1, s0  }
0xc0: {  	s0 =	sadd.s32 $0x8F2B, s0  }
0xc1: {  	[sflag:s0] =	ssyncadd.remote.s32 $0x1  }
0xc2: {  	_ =	sfence.sel $0xFFFF  }
0xc3: {  	[dreg:$0x0] =	wrdreg $0xFFFFFFFF;
	(pc) =	sbr.abs _section_cstart, $3  }
0xc4: {  	[dreg:$0x1] =	wrdreg $0xFFFFFFFF  }
0xc5: {  	_ =	task.clear_ibuf [dreg:s9], $0x2FFFF;
	_ =	strace $0x9FFFFFFF  }
0xc6: {  	(tm) =	ssettm $0x7FFFFFFF  }
0xc7: {  	_ =	shalt  }
tec
execute0_lowered:
.L_overlay_start_1:
0x0: {  	(tag) =	ssettag $0x1  }
0x1: {  	s5 =	rddreg [dreg:$0x0]  }
0x2: {  	s6 =	rddreg [dreg:$0x1]  }
0x3: {  	s7 =	rddreg [dreg:$0x2]  }
0x4: {  	s8 =	rddreg [dreg:$0x3]  }
0x5: {  	s0 =	rddreg [dreg:$0x4];
	s2 =	simm.s32 $0x0;
	s3 =	srdreg.scid  }
0x6: {  	s1 =	stileid.u32;
	s12 =	simm.s32 $0x80;
	s13 =	simm.s32 $0x400  }
0x7: {  	s14 =	simm.s32 $0x480;
	s15 =	simm.s32 $0x100;
	s16 =	simm.s32 $0x500  }
0x8: {  	s17 =	simm.s32 $0x180;
	s18 =	simm.s32 $0x580;
	s19 =	simm.s32 $0x600  }
0x9: {  	s20 =	simm.s32 $0x280;
	s21 =	simm.s32 $0x680;
	s22 =	simm.s32 $0x300  }
0xa: {  	s23 =	simm.s32 $0x700;
	s24 =	simm.s32 $0x380;
	s25 =	simm.s32 $0x780  }
0xb: {  	s26 =	simm.s32 $0x800;
	s28 =	simm.s32 $0x1;
	[smem:$0x7FF] =	sst s2  }
0xc: {  	s4 =	sand.u32 $0x1, s3;
	s9 =	sshll.u32 s1, $0x7;
	s3 =	sadd.s32 $0x1A00, s5  }
0xd: {  	_ =	strace $0x80000047;
	s10 =	sshll.u32 s4, $0x6;
	s30 =	ssub.s32 $0x2, s4  }
0xe: {  	s4 =	sadd.s32 $0x20A00, s5;
	s9 =	sor.u32 s10, s9;
	s31 =	sshrl.u32 s30, $0x1  }
0xf: {  	s11 =	sadd.s32 s9, s5;
	s10 =	ssub.s32 s30, s31;
	s5 =	sadd.s32 s6, s9  }
0x10: {  	s6 =	sadd.s32 s7, s9;
	s8 =	sadd.s32 s8, s9;
	s7 =	sadd.s32 $0x3FA00, s11  }
0x11: {  	s9 =	smax.u32 s10, $0x1;
	s10 =	simm.s32 $0x2;
	s11 =	simm.s32 $0x200  }
.LBB2_1:
0x12: {  	[tilespmem:s2], [sflag:$0x2] =	stream.linear.gather [hbm4b:s5+s2], $0x200, $0x38;
	[tilespmem:$0xA00] =	vst v63  }
0x13: {  	_ =	swait.ge [sflag:s10], $0x200  }
0x14: {  	[sflag:s10] =	ssyncset.done $0x0  }
0x15: {  	[sflag:s10] =	ssyncadd.s32 $0xFFFFFE00  }
0x16: {  	[tilespmem:s11], [sflag:$0x2] =	stream.linear.gather [hbm4b:s6+s2], $0x200, $0x38;
	[tilespmem:$0xA00] =	vst v63  }
0x17: {  	_ =	swait.ge [sflag:s10], $0x200  }
0x18: {  	[sflag:s10] =	ssyncset.done $0x0  }
0x19: {  	[sflag:s10] =	ssyncadd.s32 $0xFFFFFE00  }
0x1a: {  	[tilespmem:s13], [sflag:$0x1] =	stream.indirect.gather [hbm4b:s3+s12], $0x1, s2, s12, $0xb8;
	[tilespmem:$0xA00] =	vst v63  }
0x1b: {  	_ = 	snop  }
0x1c: {  	[tilespmem:s14], [sflag:$0x1] =	stream.indirect.gather [hbm4b:s3+s12], $0x1, s12, s12, $0xb8;
	[tilespmem:$0xA00] =	vst v63  }
0x1d: {  	_ = 	snop  }
0x1e: {  	[tilespmem:s16], [sflag:$0x1] =	stream.indirect.gather [hbm4b:s3+s12], $0x1, s15, s12, $0xb8;
	[tilespmem:$0xA00] =	vst v63  }
0x1f: {  	_ = 	snop  }
0x20: {  	[tilespmem:s18], [sflag:$0x1] =	stream.indirect.gather [hbm4b:s3+s12], $0x1, s17, s12, $0xb8;
	[tilespmem:$0xA00] =	vst v63  }
0x21: {  	_ = 	snop  }
0x22: {  	[tilespmem:s19], [sflag:$0x1] =	stream.indirect.gather [hbm4b:s4+s12], $0x1, s11, s12, $0xb8;
	[tilespmem:$0xA00] =	vst v63  }
0x23: {  	_ = 	snop  }
0x24: {  	[tilespmem:s21], [sflag:$0x1] =	stream.indirect.gather [hbm4b:s4+s12], $0x1, s20, s12, $0xb8;
	[tilespmem:$0xA00] =	vst v63  }
0x25: {  	_ = 	snop  }
0x26: {  	[tilespmem:s23], [sflag:$0x1] =	stream.indirect.gather [hbm4b:s4+s12], $0x1, s22, s12, $0xb8;
	[tilespmem:$0xA00] =	vst v63  }
0x27: {  	_ = 	snop  }
0x28: {  	[tilespmem:s25], [sflag:$0x1] =	stream.indirect.gather [hbm4b:s4+s12], $0x1, s24, s12, $0xb8;
	[tilespmem:$0xA00] =	vst v63  }
0x29: {  	_ = 	snop  }
0x2a: {  	[tilespmem:s26], [sflag:$0x2] =	stream.linear.gather [hbm4b:s7+s2], $0x200, $0x38;
	[tilespmem:$0xA00] =	vst v63  }
0x2b: {  	_ =	swait.ge [sflag:s10], $0x200  }
0x2c: {  	[sflag:s10] =	ssyncset.done $0x0  }
0x2d: {  	[sflag:s10] =	ssyncadd.s32 $0xFFFFFE00  }
0x2e: {  	_ =	swait.ge [sflag:s28], $0x80  }
0x2f: {  	[sflag:s28] =	ssyncset.done $0x0  }
0x30: {  	[sflag:s28] =	ssyncadd.s32 $0xFFFFFF80  }
0x31: {  	_ =	swait.ge [sflag:s28], $0x80  }
0x32: {  	[sflag:s28] =	ssyncset.done $0x0  }
0x33: {  	[sflag:s28] =	ssyncadd.s32 $0xFFFFFF80  }
0x34: {  	_ =	swait.ge [sflag:s28], $0x80  }
0x35: {  	[sflag:s28] =	ssyncset.done $0x0  }
0x36: {  	[sflag:s28] =	ssyncadd.s32 $0xFFFFFF80  }
0x37: {  	_ =	swait.ge [sflag:s28], $0x80  }
0x38: {  	[sflag:s28] =	ssyncset.done $0x0  }
0x39: {  	[sflag:s28] =	ssyncadd.s32 $0xFFFFFF80  }
0x3a: {  	_ =	swait.ge [sflag:s28], $0x80  }
0x3b: {  	[sflag:s28] =	ssyncset.done $0x0  }
0x3c: {  	[sflag:s28] =	ssyncadd.s32 $0xFFFFFF80  }
0x3d: {  	_ =	swait.ge [sflag:s28], $0x80  }
0x3e: {  	[sflag:s28] =	ssyncset.done $0x0  }
0x3f: {  	[sflag:s28] =	ssyncadd.s32 $0xFFFFFF80  }
0x40: {  	_ =	swait.ge [sflag:s28], $0x80  }
0x41: {  	[sflag:s28] =	ssyncset.done $0x0  }
0x42: {  	[sflag:s28] =	ssyncadd.s32 $0xFFFFFF80  }
0x43: {  	_ =	swait.ge [sflag:s28], $0x80  }
0x44: {  	[sflag:s28] =	ssyncset.done $0x0  }
0x45: {  	[sflag:s28] =	ssyncadd.s32 $0xFFFFFF80  }
0x46: {  	v9 =	vld [tilespmem:$0x400]  }
0x47: {  	v10 =	vld [tilespmem:$0x410]  }
0x48: {  	v11 =	vld [tilespmem:$0x420]  }
0x49: {  	v12 =	vld [tilespmem:$0x430]  }
0x4a: {  	v13 =	vld [tilespmem:$0x440]  }
0x4b: {  	v14 =	vld [tilespmem:$0x450]  }
0x4c: {  	v15 =	vld [tilespmem:$0x460]  }
0x4d: {  	v16 =	vld [tilespmem:$0x470]  }
0x4e: {  	v17 =	vld [tilespmem:$0x480]  }
0x4f: {  	v18 =	vld [tilespmem:$0x490]  }
0x50: {  	v19 =	vld [tilespmem:$0x4A0]  }
0x51: {  	v20 =	vld [tilespmem:$0x4B0]  }
0x52: {  	v21 =	vld [tilespmem:$0x4C0]  }
0x53: {  	v22 =	vld [tilespmem:$0x4D0]  }
0x54: {  	v23 =	vld [tilespmem:$0x4E0]  }
0x55: {  	v24 =	vld [tilespmem:$0x4F0]  }
0x56: {  	v25 =	vld [tilespmem:$0x500]  }
0x57: {  	v26 =	vld [tilespmem:$0x510]  }
0x58: {  	v27 =	vld [tilespmem:$0x520]  }
0x59: {  	v28 =	vld [tilespmem:$0x530]  }
0x5a: {  	v29 =	vld [tilespmem:$0x540]  }
0x5b: {  	v30 =	vld [tilespmem:$0x550]  }
0x5c: {  	v31 =	vld [tilespmem:$0x560]  }
0x5d: {  	v8 =	vld [tilespmem:$0x570]  }
0x5e: {  	v7 =	vld [tilespmem:$0x580]  }
0x5f: {  	v6 =	vld [tilespmem:$0x590]  }
0x60: {  	v5 =	vld [tilespmem:$0x5A0]  }
0x61: {  	v4 =	vld [tilespmem:$0x5B0]  }
0x62: {  	v3 =	vld [tilespmem:$0x5C0]  }
0x63: {  	v0 =	vld [tilespmem:$0x5D0]  }
0x64: {  	v35 =	vld [tilespmem:$0x5E0]  }
0x65: {  	v36 =	vld [tilespmem:$0x5F0]  }
0x66: {  	v32 =	vld [tilespmem:$0x600]  }
0x67: {  	v33 =	vld [tilespmem:$0x610]  }
0x68: {  	v34 =	vld [tilespmem:$0x620]  }
0x69: {  	v37 =	vld [tilespmem:$0x650]  }
0x6a: {  	v38 =	vld [tilespmem:$0x660]  }
0x6b: {  	v39 =	vld [tilespmem:$0x670]  }
0x6c: {  	v40 =	vld [tilespmem:$0x680]  }
0x6d: {  	v41 =	vld [tilespmem:$0x690]  }
0x6e: {  	v42 =	vld [tilespmem:$0x6A0]  }
0x6f: {  	v43 =	vld [tilespmem:$0x6B0]  }
0x70: {  	v44 =	vld [tilespmem:$0x6C0]  }
0x71: {  	v45 =	vld [tilespmem:$0x6D0]  }
0x72: {  	v46 =	vld [tilespmem:$0x6E0]  }
0x73: {  	v47 =	vld [tilespmem:$0x6F0]  }
0x74: {  	v48 =	vld [tilespmem:$0x700]  }
0x75: {  	v49 =	vld [tilespmem:$0x710]  }
0x76: {  	v50 =	vld [tilespmem:$0x720]  }
0x77: {  	v51 =	vld [tilespmem:$0x730]  }
0x78: {  	v52 =	vld [tilespmem:$0x740]  }
0x79: {  	v53 =	vld [tilespmem:$0x750]  }
0x7a: {  	v54 =	vld [tilespmem:$0x760]  }
0x7b: {  	v55 =	vld [tilespmem:$0x770]  }
0x7c: {  	v56 =	vld [tilespmem:$0x780]  }
0x7d: {  	v57 =	vld [tilespmem:$0x790]  }
0x7e: {  	v58 =	vld [tilespmem:$0x7A0]  }
0x7f: {  	v59 =	vld [tilespmem:$0x7B0]  }
0x80: {  	v60 =	vld [tilespmem:$0x7C0]  }
0x81: {  	v61 =	vld [tilespmem:$0x7D0]  }
0x82: {  	v62 =	vld [tilespmem:$0x7E0]  }
0x83: {  	v63 =	vld [tilespmem:$0x7F0]  }
0x84: {  	v1 =	vld [tilespmem:$0x810]  }
0x85: {  	v2 =	vld [tilespmem:$0x820]  }
0x86: {  	[tilespmem:$0x1FFE0] =	vst v35;
	v35 =	vld [tilespmem:$0x630]  }
0x87: {  	[tilespmem:$0x1FFF0] =	vst v36;
	v36 =	vld [tilespmem:$0x640]  }
0x88: {  	[tilespmem:$0x1FFD0] =	vst v0;
	v0 =	vld [tilespmem:$0x800]  }
0x89: {  	v9 =	vadd.f32 v32, v9;
	v32 =	vld [tilespmem:$0x830]  }
0x8a: {  	v10 =	vadd.f32 v33, v10;
	v33 =	vld [tilespmem:$0x840];
	v11 =	vadd.f32 v34, v11  }
0x8b: {  	v37 =	vadd.f32 v37, v14;
	v14 =	vld [tilespmem:$0x880];
	v38 =	vadd.f32 v38, v15  }
0x8c: {  	v34 =	vadd.f32 v39, v16;
	v39 =	vld [tilespmem:$0x8C0];
	v22 =	vadd.f32 v45, v22  }
0x8d: {  	v45 =	vadd.f32 v52, v29;
	v52 =	vld [tilespmem:$0x9B0];
	v3 =	vadd.f32 v60, v3  }
0x8e: {  	v1 =	vadd.f32 v1, v10;
	v2 =	vadd.f32 v2, v11;
	v11 =	vld [tilespmem:$0x870]  }
0x8f: {  	v10 =	vld [tilespmem:$0x860];
	v0 =	vadd.f32 v0, v9;
	v12 =	vadd.f32 v35, v12  }
0x90: {  	[tilespmem:$0x410] =	vst v1;
	v9 =	vld [tilespmem:$0x850];
	v13 =	vadd.f32 v36, v13;
	v36 =	vadd.f32 v40, v17  }
0x91: {  	v60 =	vld [tilespmem:$0x1FFD0];
	[tilespmem:$0x420] =	vst v2;
	v40 =	vadd.f32 v42, v19;
	v12 =	vadd.f32 v32, v12  }
0x92: {  	v35 =	vld [tilespmem:$0x8A0];
	v42 =	vadd.f32 v43, v20;
	[tilespmem:$0x400] =	vst v0;
	v13 =	vadd.f32 v33, v13  }
0x93: {  	v20 =	vadd.f32 v44, v21;
	v32 =	vld [tilespmem:$0x890];
	v2 =	vadd.f32 v11, v34;
	[tilespmem:$0x430] =	vst v12  }
0x94: {  	v1 =	vadd.f32 v10, v38;
	v38 =	vadd.f32 v41, v18;
	v41 =	vld [tilespmem:$0x8D0];
	[tilespmem:$0x440] =	vst v13  }
0x95: {  	[tilespmem:$0x470] =	vst v2;
	v2 =	vadd.f32 v39, v20;
	v0 =	vadd.f32 v9, v37;
	v37 =	vld [tilespmem:$0x8B0]  }
0x96: {  	v8 =	vadd.f32 v55, v8;
	v34 =	vld [tilespmem:$0x910];
	[tilespmem:$0x460] =	vst v1  }
0x97: {  	v33 =	vadd.f32 v46, v23;
	v46 =	vld [tilespmem:$0x970];
	v9 =	vadd.f32 v14, v36;
	[tilespmem:$0x4C0] =	vst v2  }
0x98: {  	v43 =	vld [tilespmem:$0x8E0];
	v39 =	vadd.f32 v49, v26;
	[tilespmem:$0x450] =	vst v0;
	v10 =	vadd.f32 v32, v38  }
0x99: {  	v21 =	vld [tilespmem:$0x8F0];
	v0 =	vadd.f32 v35, v40;
	[tilespmem:$0x480] =	vst v9;
	v9 =	vadd.f32 v41, v22  }
0x9a: {  	[tilespmem:$0x490] =	vst v10;
	v1 =	vadd.f32 v37, v42;
	v37 =	vadd.f32 v48, v25;
	v48 =	vld [tilespmem:$0x980]  }
0x9b: {  	v44 =	vld [tilespmem:$0x960];
	v49 =	vadd.f32 v54, v31;
	v2 =	vadd.f32 v34, v39;
	[tilespmem:$0x4A0] =	vst v0  }
0x9c: {  	v54 =	vld [tilespmem:$0x9C0];
	v35 =	vadd.f32 v47, v24;
	v8 =	vadd.f32 v46, v8;
	[tilespmem:$0x4D0] =	vst v9  }
0x9d: {  	v7 =	vadd.f32 v56, v7;
	v40 =	vld [tilespmem:$0x940];
	v10 =	vadd.f32 v43, v33;
	[tilespmem:$0x510] =	vst v2  }
0x9e: {  	v36 =	vld [tilespmem:$0x920];
	v0 =	vadd.f32 v21, v35;
	[tilespmem:$0x570] =	vst v8  }
0x9f: {  	v41 =	vadd.f32 v50, v27;
	v50 =	vld [tilespmem:$0x990];
	[tilespmem:$0x4E0] =	vst v10;
	v7 =	vadd.f32 v48, v7  }
0xa0: {  	v32 =	vld [tilespmem:$0x900];
	v47 =	vadd.f32 v53, v30;
	v2 =	vadd.f32 v44, v49;
	[tilespmem:$0x4F0] =	vst v0  }
0xa1: {  	v3 =	vadd.f32 v54, v3;
	[tilespmem:$0x580] =	vst v7;
	v7 =	vadd.f32 v61, v60;
	v61 =	vld [tilespmem:$0x1FFE0]  }
0xa2: {  	v53 =	vadd.f32 v57, v6;
	v42 =	vld [tilespmem:$0x950];
	[tilespmem:$0x560] =	vst v2;
	v0 =	vadd.f32 v40, v45  }
0xa3: {  	v56 =	vld [tilespmem:$0x9D0];
	[tilespmem:$0x5C0] =	vst v3  }
0xa4: {  	v43 =	vadd.f32 v51, v28;
	v51 =	vld [tilespmem:$0x9A0];
	[tilespmem:$0x540] =	vst v0;
	v0 =	vadd.f32 v50, v53  }
0xa5: {  	v38 =	vld [tilespmem:$0x930];
	v57 =	vadd.f32 v59, v4;
	[tilespmem:$0x4B0] =	vst v1;
	v1 =	vadd.f32 v32, v37  }
0xa6: {  	v9 =	vadd.f32 v36, v41;
	[tilespmem:$0x590] =	vst v0;
	v0 =	vadd.f32 v62, v61;
	v62 =	vld [tilespmem:$0x1FFF0]  }
0xa7: {  	v55 =	vadd.f32 v58, v5;
	v58 =	vld [tilespmem:$0x9E0];
	[tilespmem:$0x500] =	vst v1;
	v1 =	vadd.f32 v42, v47  }
0xa8: {  	v59 =	vld [tilespmem:$0x9F0];
	v2 =	vadd.f32 v52, v57;
	[tilespmem:$0x520] =	vst v9  }
0xa9: {  	[tilespmem:$0x550] =	vst v1;
	v1 =	vadd.f32 v51, v55  }
0xaa: {  	v10 =	vadd.f32 v38, v43;
	[tilespmem:$0x5B0] =	vst v2  }
0xab: {  	[tilespmem:$0x5A0] =	vst v1;
	v5 =	vadd.f32 v56, v7;
	v1 =	vadd.f32 v63, v62  }
0xac: {  	[tilespmem:$0x530] =	vst v10;
	v0 =	vadd.f32 v58, v0  }
0xad: {  	[tilespmem:$0x5D0] =	vst v5;
	v1 =	vadd.f32 v59, v1  }
0xae: {  	p0 =	sne.s32 s9, $0x1;
	[tilespmem:$0x5E0] =	vst v0  }
.Ltmp0:
0xaf: {  	[tilespmem:$0x5F0] =	vst v1;
	(pc) =	sbr.rel @p0 .LBB2_1-.Ltmp0, $4  }
0xb0: {  	[hbm4b:s8+s2] =	stream.linear.scatter [tilespmem:s13], [sflag:$0x2], $0x200, $0x38;
	[tilespmem:$0xA00] =	vst v63  }
0xb1: {  	_ =	swait.ge [sflag:s10], $0x200  }
0xb2: {  	[sflag:s10] =	ssyncset.done $0x0  }
0xb3: {  	s9 =	sadd.s32 $0xFFFFFFFF, s9;
	[sflag:s10] =	ssyncadd.s32 $0xFFFFFE00  }
0xb4: {  	_ =	sfence.sel $0x180000  }
0xb5: {  	[bflag:$0x0] =	sbarrier.arrive $0xFFFF  }
0xb6: {  	p0 =	sne.s32 s1, $0x0;
	_ =	strace $0x90000047  }
0xb7: {  	s0 =	sadd.s32 @!p0 $0x100000, s0;
	[bflag:$0x2] =	sbarrier.arrive $0xFFFF  }
0xb8: {  	[sflag:s0] =	ssyncadd.tile.s32 @!p0 $0x1;
	_ =	shalt  }
.Lfunc_end2:
_tile_overlayer_lowered:
.L_overlay_start_2:
0xb9: {  	(tag) =	ssettag $0x2  }
0xba: {  	s0 =	rddreg [dreg:$0x0];
	s2 =	stileid.u32  }
0xbb: {  	s1 =	rddreg [dreg:$0x1];
	p0 =	sne.s32 s2, $0x0  }
0xbc: {  	s3 =	rddreg [dreg:$0x2];
	[bflag:$0x3] =	sbarrier.arrive $0xFFFF;
	s2 =	simm.s32 @!p0 $0x1C02  }
0xbd: {  	[timem:s3], [sflag:s2] =	dma.local @!p0 [hbm:s0], s1  }
0xbe: {  	s0 =	simm.s32 @!p0 $0x2  }
0xbf: {  	_ =	swait.ge @!p0 [sflag:s0], s1  }
0xc0: {  	s1 =	ssub.s32 @!p0 $0x0, s1;
	[sflag:s0] =	ssyncset.done @!p0 $0x0  }
0xc1: {  	[sflag:s0] =	ssyncadd.s32 @!p0 s1  }
0xc2: {  	[bflag:$0x3] =	sbarrier.arrive $0xFFFF  }
0xc3: {  	_ =	shalt  }

</sc_bundles>
